<compile_context>
chip_gen: v7x
topology: tpu7x:2x2x1
jax: 0.10.2.dev20260603
libtpu: 0.0.44.dev20260713+nightly
codegen_flags: <defaults>
</compile_context>

<pallas_src>
import functools

import jax
import jax.numpy as jnp
from jax import lax
from jax.experimental import pallas as pl
from jax.experimental.pallas import tpu as pltpu
from jax.experimental.pallas import tpu_sc as plsc

N_XCOND = 64
D = 128
BATCH = 16384

_NC = 2
_NS = 16
_NW = _NC * _NS
_BPW = BATCH // _NW
_L = 16


@functools.partial(
    pl.kernel,
    out_type=jax.ShapeDtypeStruct((BATCH, D), jnp.float32),
    mesh=plsc.VectorSubcoreMesh(core_axis_name="c", subcore_axis_name="s"),
    scratch_types=[
        pltpu.VMEM((_BPW,), jnp.int32),
        pltpu.VMEM((_BPW,), jnp.int32),
        pltpu.VMEM((_BPW,), jnp.int32),
        pltpu.VMEM((_BPW, D), jnp.float32),
        pltpu.SemaphoreType.DMA,
        pltpu.SemaphoreType.DMA,
    ],
)
def _embed_gather(cls_hbm, xc_hbm, table_hbm, out_hbm, cls_v, xc_v, idx_v,
                  rows_v, gsem, ssem):
    wid = lax.axis_index("s") * _NC + lax.axis_index("c")
    base = wid * _BPW

    lc = pltpu.async_copy(cls_hbm.at[pl.ds(base, _BPW)], cls_v, gsem)
    lx = pltpu.async_copy(xc_hbm.at[pl.ds(base, _BPW)], xc_v, gsem)
    lc.wait()
    lx.wait()

    for i in range(_BPW // _L):
        sl = pl.ds(i * _L, _L)
        idx_v[sl] = cls_v[sl] * N_XCOND + xc_v[sl]

    pltpu.async_copy(table_hbm.at[idx_v], rows_v, gsem).wait()
    pltpu.async_copy(rows_v, out_hbm.at[pl.ds(base, _BPW)], ssem).wait()


def kernel(class_ws, x_cond_ws, embedding_table):
    return _embed_gather(class_ws, x_cond_ws, embedding_table)

# --- scband reference (transcript-rebuilt; emitter-appended) ---
"""Pipeline reference for scband-guidance-embedder-joint-29033978921495 (READ-ONLY COPY).

The authoritative reference and input builder live on the scoring server;
editing this copy changes nothing except your own understanding.
"""

import jax, jax.numpy as jnp
import numpy as np

N_CLASS = 64
N_XCOND = 64
D = 128
BATCH = 16384
CLASS_SET = np.arange(N_CLASS, dtype=np.float32)
XCOND_SET = np.arange(N_XCOND, dtype=np.float32)


def setup_inputs(seed: int = 0) -> dict:
    key = jax.random.key(seed)
    k1, k2, k3 = jax.random.split(key, 3)
    class_ws = jax.random.randint(k1, (BATCH,), 0, N_CLASS, dtype=jnp.int64 if jax.config.read('jax_enable_x64') else jnp.int32).astype(jnp.int32)
    x_cond_ws = jax.random.randint(k2, (BATCH,), 0, N_XCOND).astype(jnp.int32)
    embedding_table = jax.random.normal(k3, (N_CLASS * N_XCOND, D), dtype=jnp.float32)
    return {"class_ws": class_ws, "x_cond_ws": x_cond_ws, "embedding_table": embedding_table}


def reference(class_ws, x_cond_ws, embedding_table):
    # Faithful translation of GuidanceEmbedderJoint.forward:
    # 1) cast guidance weights to float and round (mimics round(float(v), round_decimals))
    # 2) map each rounded value to its index in the allowed set (dict lookup -> searchsorted,
    #    valid because the sets are sorted and inputs are guaranteed in-set)
    # 3) combined index = class_idx * n_x_cond + xcond_idx
    # 4) embedding gather
    class_set = jnp.asarray(CLASS_SET)
    xcond_set = jnp.asarray(XCOND_SET)
    cw = jnp.round(class_ws.reshape(-1).astype(jnp.float32), 4)
    xw = jnp.round(x_cond_ws.reshape(-1).astype(jnp.float32), 4)
    class_idx = jnp.searchsorted(class_set, cw).astype(jnp.int32)
    xcond_idx = jnp.searchsorted(xcond_set, xw).astype(jnp.int32)
    combined_indices = class_idx * xcond_set.shape[0] + xcond_idx
    return jnp.take(embedding_table, combined_indices, axis=0)

if __name__ == "__main__":
    import jax
    _d = setup_inputs()
    print(jax.jit(kernel)(*tuple(_d.values())))

</pallas_src>

<mosaic_0001>
#map = affine_map<(d0, d1) -> (0)>
#map1 = affine_map<(d0, d1) -> (0, 0)>
module attributes {stable_mosaic.version = 14 : i64} {
  func.func @_embed_gather(%arg0: i32, %arg1: i32, %arg2: memref<16384xi32, #tpu.memory_space<hbm>>, %arg3: memref<16384xi32, #tpu.memory_space<hbm>>, %arg4: memref<4096x128xf32, #tpu.memory_space<hbm>>, %arg5: memref<16384x128xf32, #tpu.memory_space<hbm>>, %arg6: memref<512xi32, #tpu.memory_space<vmem>>, %arg7: memref<512xi32, #tpu.memory_space<vmem>>, %arg8: memref<512xi32, #tpu.memory_space<vmem>>, %arg9: memref<512x128xf32, #tpu.memory_space<vmem>>, %arg10: memref<!tpu.dma_semaphore, #tpu.memory_space<semaphore_mem>>, %arg11: memref<!tpu.dma_semaphore, #tpu.memory_space<semaphore_mem>>) attributes {dimension_semantics = [#tpu.dimension_semantics<core_parallel>, #tpu.dimension_semantics<subcore_parallel>], iteration_bounds = array<i64: 2, 16>, scalar_prefetch = 0 : i64, scratch_operands = 6 : i64, tpu.core_type = #tpu.core_type<sc_vector_subcore>, window_params = [{transform_indices = #map}, {transform_indices = #map}, {transform_indices = #map1}, {transform_indices = #map1}]} {
    %mul3A = arith.constant 2 : i32
    %mul3A_0 = arith.muli %arg1, %mul3A : i32
    %add3A = arith.addi %mul3A_0, %arg0 : i32
    %mul3A_1 = arith.constant 512 : i32
    %mul3A_2 = arith.muli %add3A, %mul3A_1 : i32
    %dma_start3A = tpu.memref_slice %arg2[%mul3A_2] : memref<16384xi32, #tpu.memory_space<hbm>> -> memref<512xi32, #tpu.memory_space<hbm>>
    %dma_start3A_3 = tpu.memref_slice %arg2[%mul3A_2] : memref<16384xi32, #tpu.memory_space<hbm>> -> memref<512xi32, #tpu.memory_space<hbm>>
    tpu.enqueue_dma source(%dma_start3A_3 : memref<512xi32, #tpu.memory_space<hbm>>) target(%arg6 : memref<512xi32, #tpu.memory_space<vmem>>) target_semaphore(%arg10 : memref<!tpu.dma_semaphore, #tpu.memory_space<semaphore_mem>>)
    %dma_start3A_4 = tpu.memref_slice %arg3[%mul3A_2] : memref<16384xi32, #tpu.memory_space<hbm>> -> memref<512xi32, #tpu.memory_space<hbm>>
    %dma_start3A_5 = tpu.memref_slice %arg3[%mul3A_2] : memref<16384xi32, #tpu.memory_space<hbm>> -> memref<512xi32, #tpu.memory_space<hbm>>
    tpu.enqueue_dma source(%dma_start3A_5 : memref<512xi32, #tpu.memory_space<hbm>>) target(%arg7 : memref<512xi32, #tpu.memory_space<vmem>>) target_semaphore(%arg10 : memref<!tpu.dma_semaphore, #tpu.memory_space<semaphore_mem>>)
    %dma_wait3A = tpu.memref_slice %arg2[%mul3A_2] : memref<16384xi32, #tpu.memory_space<hbm>> -> memref<512xi32, #tpu.memory_space<hbm>>
    %dma_wait3A_6 = tpu.memref_slice %arg2[%mul3A_2] : memref<16384xi32, #tpu.memory_space<hbm>> -> memref<512xi32, #tpu.memory_space<hbm>>
    tpu.wait_dma2 semaphore(%arg10 : memref<!tpu.dma_semaphore, #tpu.memory_space<semaphore_mem>>) src(%dma_wait3A_6 : memref<512xi32, #tpu.memory_space<hbm>>) dst(%arg6 : memref<512xi32, #tpu.memory_space<vmem>>)
    %dma_wait3A_7 = tpu.memref_slice %arg3[%mul3A_2] : memref<16384xi32, #tpu.memory_space<hbm>> -> memref<512xi32, #tpu.memory_space<hbm>>
    %dma_wait3A_8 = tpu.memref_slice %arg3[%mul3A_2] : memref<16384xi32, #tpu.memory_space<hbm>> -> memref<512xi32, #tpu.memory_space<hbm>>
    tpu.wait_dma2 semaphore(%arg10 : memref<!tpu.dma_semaphore, #tpu.memory_space<semaphore_mem>>) src(%dma_wait3A_8 : memref<512xi32, #tpu.memory_space<hbm>>) dst(%arg7 : memref<512xi32, #tpu.memory_space<vmem>>)
    %get3A = arith.constant 0 : index
    %get3A_9 = tpu.vector_load %arg6[%get3A] {strides = array<i32>} : memref<512xi32, #tpu.memory_space<vmem>>, vector<16xi32>,
    %get3A_10 = vector.shape_cast %get3A_9 : vector<16xi32> to vector<16xi32>
    %mul3A_11 = arith.constant 64 : i32
    %mul3A_12 = vector.broadcast %mul3A_11 : i32 to vector<16xi32>
    %mul3A_13 = arith.muli %get3A_10, %mul3A_12 : vector<16xi32>
    %get3A_14 = arith.constant 0 : index
    %get3A_15 = tpu.vector_load %arg7[%get3A_14] {strides = array<i32>} : memref<512xi32, #tpu.memory_space<vmem>>, vector<16xi32>,
    %get3A_16 = vector.shape_cast %get3A_15 : vector<16xi32> to vector<16xi32>
    %add3A_17 = arith.addi %mul3A_13, %get3A_16 : vector<16xi32>
    %swap3A = arith.constant 0 : index
    %swap3A_18 = tpu.vector_load %arg8[%swap3A] {strides = array<i32>} : memref<512xi32, #tpu.memory_space<vmem>>, vector<16xi32>,
    %swap3A_19 = vector.shape_cast %swap3A_18 : vector<16xi32> to vector<16xi32>
    %swap3A_20 = vector.shape_cast %add3A_17 : vector<16xi32> to vector<16xi32>
    tpu.vector_store %arg8[%swap3A], %swap3A_20 {strides = array<i32>} : memref<512xi32, #tpu.memory_space<vmem>>, vector<16xi32>,
    %get3A_21 = arith.constant 16 : index
    %get3A_22 = tpu.vector_load %arg6[%get3A_21] {strides = array<i32>} : memref<512xi32, #tpu.memory_space<vmem>>, vector<16xi32>,
    %get3A_23 = vector.shape_cast %get3A_22 : vector<16xi32> to vector<16xi32>
    %mul3A_24 = arith.constant 64 : i32
    %mul3A_25 = vector.broadcast %mul3A_24 : i32 to vector<16xi32>
    %mul3A_26 = arith.muli %get3A_23, %mul3A_25 : vector<16xi32>
    %get3A_27 = arith.constant 16 : index
    %get3A_28 = tpu.vector_load %arg7[%get3A_27] {strides = array<i32>} : memref<512xi32, #tpu.memory_space<vmem>>, vector<16xi32>,
    %get3A_29 = vector.shape_cast %get3A_28 : vector<16xi32> to vector<16xi32>
    %add3A_30 = arith.addi %mul3A_26, %get3A_29 : vector<16xi32>
    %swap3A_31 = arith.constant 16 : index
    %swap3A_32 = tpu.vector_load %arg8[%swap3A_31] {strides = array<i32>} : memref<512xi32, #tpu.memory_space<vmem>>, vector<16xi32>,
    %swap3A_33 = vector.shape_cast %swap3A_32 : vector<16xi32> to vector<16xi32>
    %swap3A_34 = vector.shape_cast %add3A_30 : vector<16xi32> to vector<16xi32>
    tpu.vector_store %arg8[%swap3A_31], %swap3A_34 {strides = array<i32>} : memref<512xi32, #tpu.memory_space<vmem>>, vector<16xi32>,
    %get3A_35 = arith.constant 32 : index
    %get3A_36 = tpu.vector_load %arg6[%get3A_35] {strides = array<i32>} : memref<512xi32, #tpu.memory_space<vmem>>, vector<16xi32>,
    %get3A_37 = vector.shape_cast %get3A_36 : vector<16xi32> to vector<16xi32>
    %mul3A_38 = arith.constant 64 : i32
    %mul3A_39 = vector.broadcast %mul3A_38 : i32 to vector<16xi32>
    %mul3A_40 = arith.muli %get3A_37, %mul3A_39 : vector<16xi32>
    %get3A_41 = arith.constant 32 : index
    %get3A_42 = tpu.vector_load %arg7[%get3A_41] {strides = array<i32>} : memref<512xi32, #tpu.memory_space<vmem>>, vector<16xi32>,
    %get3A_43 = vector.shape_cast %get3A_42 : vector<16xi32> to vector<16xi32>
    %add3A_44 = arith.addi %mul3A_40, %get3A_43 : vector<16xi32>
    %swap3A_45 = arith.constant 32 : index
    %swap3A_46 = tpu.vector_load %arg8[%swap3A_45] {strides = array<i32>} : memref<512xi32, #tpu.memory_space<vmem>>, vector<16xi32>,
    %swap3A_47 = vector.shape_cast %swap3A_46 : vector<16xi32> to vector<16xi32>
    %swap3A_48 = vector.shape_cast %add3A_44 : vector<16xi32> to vector<16xi32>
    tpu.vector_store %arg8[%swap3A_45], %swap3A_48 {strides = array<i32>} : memref<512xi32, #tpu.memory_space<vmem>>, vector<16xi32>,
    %get3A_49 = arith.constant 48 : index
    %get3A_50 = tpu.vector_load %arg6[%get3A_49] {strides = array<i32>} : memref<512xi32, #tpu.memory_space<vmem>>, vector<16xi32>,
    %get3A_51 = vector.shape_cast %get3A_50 : vector<16xi32> to vector<16xi32>
    %mul3A_52 = arith.constant 64 : i32
    %mul3A_53 = vector.broadcast %mul3A_52 : i32 to vector<16xi32>
    %mul3A_54 = arith.muli %get3A_51, %mul3A_53 : vector<16xi32>
    %get3A_55 = arith.constant 48 : index
    %get3A_56 = tpu.vector_load %arg7[%get3A_55] {strides = array<i32>} : memref<512xi32, #tpu.memory_space<vmem>>, vector<16xi32>,
    %get3A_57 = vector.shape_cast %get3A_56 : vector<16xi32> to vector<16xi32>
    %add3A_58 = arith.addi %mul3A_54, %get3A_57 : vector<16xi32>
    %swap3A_59 = arith.constant 48 : index
    %swap3A_60 = tpu.vector_load %arg8[%swap3A_59] {strides = array<i32>} : memref<512xi32, #tpu.memory_space<vmem>>, vector<16xi32>,
    %swap3A_61 = vector.shape_cast %swap3A_60 : vector<16xi32> to vector<16xi32>
    %swap3A_62 = vector.shape_cast %add3A_58 : vector<16xi32> to vector<16xi32>
    tpu.vector_store %arg8[%swap3A_59], %swap3A_62 {strides = array<i32>} : memref<512xi32, #tpu.memory_space<vmem>>, vector<16xi32>,
    %get3A_63 = arith.constant 64 : index
    %get3A_64 = tpu.vector_load %arg6[%get3A_63] {strides = array<i32>} : memref<512xi32, #tpu.memory_space<vmem>>, vector<16xi32>,
    %get3A_65 = vector.shape_cast %get3A_64 : vector<16xi32> to vector<16xi32>
    %mul3A_66 = arith.constant 64 : i32
    %mul3A_67 = vector.broadcast %mul3A_66 : i32 to vector<16xi32>
    %mul3A_68 = arith.muli %get3A_65, %mul3A_67 : vector<16xi32>
    %get3A_69 = arith.constant 64 : index
    %get3A_70 = tpu.vector_load %arg7[%get3A_69] {strides = array<i32>} : memref<512xi32, #tpu.memory_space<vmem>>, vector<16xi32>,
    %get3A_71 = vector.shape_cast %get3A_70 : vector<16xi32> to vector<16xi32>
    %add3A_72 = arith.addi %mul3A_68, %get3A_71 : vector<16xi32>
    %swap3A_73 = arith.constant 64 : index
    %swap3A_74 = tpu.vector_load %arg8[%swap3A_73] {strides = array<i32>} : memref<512xi32, #tpu.memory_space<vmem>>, vector<16xi32>,
    %swap3A_75 = vector.shape_cast %swap3A_74 : vector<16xi32> to vector<16xi32>
    %swap3A_76 = vector.shape_cast %add3A_72 : vector<16xi32> to vector<16xi32>
    tpu.vector_store %arg8[%swap3A_73], %swap3A_76 {strides = array<i32>} : memref<512xi32, #tpu.memory_space<vmem>>, vector<16xi32>,
    %get3A_77 = arith.constant 80 : index
    %get3A_78 = tpu.vector_load %arg6[%get3A_77] {strides = array<i32>} : memref<512xi32, #tpu.memory_space<vmem>>, vector<16xi32>,
    %get3A_79 = vector.shape_cast %get3A_78 : vector<16xi32> to vector<16xi32>
    %mul3A_80 = arith.constant 64 : i32
    %mul3A_81 = vector.broadcast %mul3A_80 : i32 to vector<16xi32>
    %mul3A_82 = arith.muli %get3A_79, %mul3A_81 : vector<16xi32>
    %get3A_83 = arith.constant 80 : index
    %get3A_84 = tpu.vector_load %arg7[%get3A_83] {strides = array<i32>} : memref<512xi32, #tpu.memory_space<vmem>>, vector<16xi32>,
    %get3A_85 = vector.shape_cast %get3A_84 : vector<16xi32> to vector<16xi32>
    %add3A_86 = arith.addi %mul3A_82, %get3A_85 : vector<16xi32>
    %swap3A_87 = arith.constant 80 : index
    %swap3A_88 = tpu.vector_load %arg8[%swap3A_87] {strides = array<i32>} : memref<512xi32, #tpu.memory_space<vmem>>, vector<16xi32>,
    %swap3A_89 = vector.shape_cast %swap3A_88 : vector<16xi32> to vector<16xi32>
    %swap3A_90 = vector.shape_cast %add3A_86 : vector<16xi32> to vector<16xi32>
    tpu.vector_store %arg8[%swap3A_87], %swap3A_90 {strides = array<i32>} : memref<512xi32, #tpu.memory_space<vmem>>, vector<16xi32>,
    %get3A_91 = arith.constant 96 : index
    %get3A_92 = tpu.vector_load %arg6[%get3A_91] {strides = array<i32>} : memref<512xi32, #tpu.memory_space<vmem>>, vector<16xi32>,
    %get3A_93 = vector.shape_cast %get3A_92 : vector<16xi32> to vector<16xi32>
    %mul3A_94 = arith.constant 64 : i32
    %mul3A_95 = vector.broadcast %mul3A_94 : i32 to vector<16xi32>
    %mul3A_96 = arith.muli %get3A_93, %mul3A_95 : vector<16xi32>
    %get3A_97 = arith.constant 96 : index
    %get3A_98 = tpu.vector_load %arg7[%get3A_97] {strides = array<i32>} : memref<512xi32, #tpu.memory_space<vmem>>, vector<16xi32>,
    %get3A_99 = vector.shape_cast %get3A_98 : vector<16xi32> to vector<16xi32>
    %add3A_100 = arith.addi %mul3A_96, %get3A_99 : vector<16xi32>
    %swap3A_101 = arith.constant 96 : index
    %swap3A_102 = tpu.vector_load %arg8[%swap3A_101] {strides = array<i32>} : memref<512xi32, #tpu.memory_space<vmem>>, vector<16xi32>,
    %swap3A_103 = vector.shape_cast %swap3A_102 : vector<16xi32> to vector<16xi32>
    %swap3A_104 = vector.shape_cast %add3A_100 : vector<16xi32> to vector<16xi32>
    tpu.vector_store %arg8[%swap3A_101], %swap3A_104 {strides = array<i32>} : memref<512xi32, #tpu.memory_space<vmem>>, vector<16xi32>,
    %get3A_105 = arith.constant 112 : index
    %get3A_106 = tpu.vector_load %arg6[%get3A_105] {strides = array<i32>} : memref<512xi32, #tpu.memory_space<vmem>>, vector<16xi32>,
    %get3A_107 = vector.shape_cast %get3A_106 : vector<16xi32> to vector<16xi32>
    %mul3A_108 = arith.constant 64 : i32
    %mul3A_109 = vector.broadcast %mul3A_108 : i32 to vector<16xi32>
    %mul3A_110 = arith.muli %get3A_107, %mul3A_109 : vector<16xi32>
    %get3A_111 = arith.constant 112 : index
    %get3A_112 = tpu.vector_load %arg7[%get3A_111] {strides = array<i32>} : memref<512xi32, #tpu.memory_space<vmem>>, vector<16xi32>,
    %get3A_113 = vector.shape_cast %get3A_112 : vector<16xi32> to vector<16xi32>
    %add3A_114 = arith.addi %mul3A_110, %get3A_113 : vector<16xi32>
    %swap3A_115 = arith.constant 112 : index
    %swap3A_116 = tpu.vector_load %arg8[%swap3A_115] {strides = array<i32>} : memref<512xi32, #tpu.memory_space<vmem>>, vector<16xi32>,
    %swap3A_117 = vector.shape_cast %swap3A_116 : vector<16xi32> to vector<16xi32>
    %swap3A_118 = vector.shape_cast %add3A_114 : vector<16xi32> to vector<16xi32>
    tpu.vector_store %arg8[%swap3A_115], %swap3A_118 {strides = array<i32>} : memref<512xi32, #tpu.memory_space<vmem>>, vector<16xi32>,
    %get3A_119 = arith.constant 128 : index
    %get3A_120 = tpu.vector_load %arg6[%get3A_119] {strides = array<i32>} : memref<512xi32, #tpu.memory_space<vmem>>, vector<16xi32>,
    %get3A_121 = vector.shape_cast %get3A_120 : vector<16xi32> to vector<16xi32>
    %mul3A_122 = arith.constant 64 : i32
    %mul3A_123 = vector.broadcast %mul3A_122 : i32 to vector<16xi32>
    %mul3A_124 = arith.muli %get3A_121, %mul3A_123 : vector<16xi32>
    %get3A_125 = arith.constant 128 : index
    %get3A_126 = tpu.vector_load %arg7[%get3A_125] {strides = array<i32>} : memref<512xi32, #tpu.memory_space<vmem>>, vector<16xi32>,
    %get3A_127 = vector.shape_cast %get3A_126 : vector<16xi32> to vector<16xi32>
    %add3A_128 = arith.addi %mul3A_124, %get3A_127 : vector<16xi32>
    %swap3A_129 = arith.constant 128 : index
    %swap3A_130 = tpu.vector_load %arg8[%swap3A_129] {strides = array<i32>} : memref<512xi32, #tpu.memory_space<vmem>>, vector<16xi32>,
    %swap3A_131 = vector.shape_cast %swap3A_130 : vector<16xi32> to vector<16xi32>
    %swap3A_132 = vector.shape_cast %add3A_128 : vector<16xi32> to vector<16xi32>
    tpu.vector_store %arg8[%swap3A_129], %swap3A_132 {strides = array<i32>} : memref<512xi32, #tpu.memory_space<vmem>>, vector<16xi32>,
    %get3A_133 = arith.constant 144 : index
    %get3A_134 = tpu.vector_load %arg6[%get3A_133] {strides = array<i32>} : memref<512xi32, #tpu.memory_space<vmem>>, vector<16xi32>,
    %get3A_135 = vector.shape_cast %get3A_134 : vector<16xi32> to vector<16xi32>
    %mul3A_136 = arith.constant 64 : i32
    %mul3A_137 = vector.broadcast %mul3A_136 : i32 to vector<16xi32>
    %mul3A_138 = arith.muli %get3A_135, %mul3A_137 : vector<16xi32>
    %get3A_139 = arith.constant 144 : index
    %get3A_140 = tpu.vector_load %arg7[%get3A_139] {strides = array<i32>} : memref<512xi32, #tpu.memory_space<vmem>>, vector<16xi32>,
    %get3A_141 = vector.shape_cast %get3A_140 : vector<16xi32> to vector<16xi32>
    %add3A_142 = arith.addi %mul3A_138, %get3A_141 : vector<16xi32>
    %swap3A_143 = arith.constant 144 : index
    %swap3A_144 = tpu.vector_load %arg8[%swap3A_143] {strides = array<i32>} : memref<512xi32, #tpu.memory_space<vmem>>, vector<16xi32>,
    %swap3A_145 = vector.shape_cast %swap3A_144 : vector<16xi32> to vector<16xi32>
    %swap3A_146 = vector.shape_cast %add3A_142 : vector<16xi32> to vector<16xi32>
    tpu.vector_store %arg8[%swap3A_143], %swap3A_146 {strides = array<i32>} : memref<512xi32, #tpu.memory_space<vmem>>, vector<16xi32>,
    %get3A_147 = arith.constant 160 : index
    %get3A_148 = tpu.vector_load %arg6[%get3A_147] {strides = array<i32>} : memref<512xi32, #tpu.memory_space<vmem>>, vector<16xi32>,
    %get3A_149 = vector.shape_cast %get3A_148 : vector<16xi32> to vector<16xi32>
    %mul3A_150 = arith.constant 64 : i32
    %mul3A_151 = vector.broadcast %mul3A_150 : i32 to vector<16xi32>
    %mul3A_152 = arith.muli %get3A_149, %mul3A_151 : vector<16xi32>
    %get3A_153 = arith.constant 160 : index
    %get3A_154 = tpu.vector_load %arg7[%get3A_153] {strides = array<i32>} : memref<512xi32, #tpu.memory_space<vmem>>, vector<16xi32>,
    %get3A_155 = vector.shape_cast %get3A_154 : vector<16xi32> to vector<16xi32>
    %add3A_156 = arith.addi %mul3A_152, %get3A_155 : vector<16xi32>
    %swap3A_157 = arith.constant 160 : index
    %swap3A_158 = tpu.vector_load %arg8[%swap3A_157] {strides = array<i32>} : memref<512xi32, #tpu.memory_space<vmem>>, vector<16xi32>,
    %swap3A_159 = vector.shape_cast %swap3A_158 : vector<16xi32> to vector<16xi32>
    %swap3A_160 = vector.shape_cast %add3A_156 : vector<16xi32> to vector<16xi32>
    tpu.vector_store %arg8[%swap3A_157], %swap3A_160 {strides = array<i32>} : memref<512xi32, #tpu.memory_space<vmem>>, vector<16xi32>,
    %get3A_161 = arith.constant 176 : index
    %get3A_162 = tpu.vector_load %arg6[%get3A_161] {strides = array<i32>} : memref<512xi32, #tpu.memory_space<vmem>>, vector<16xi32>,
    %get3A_163 = vector.shape_cast %get3A_162 : vector<16xi32> to vector<16xi32>
    %mul3A_164 = arith.constant 64 : i32
    %mul3A_165 = vector.broadcast %mul3A_164 : i32 to vector<16xi32>
    %mul3A_166 = arith.muli %get3A_163, %mul3A_165 : vector<16xi32>
    %get3A_167 = arith.constant 176 : index
    %get3A_168 = tpu.vector_load %arg7[%get3A_167] {strides = array<i32>} : memref<512xi32, #tpu.memory_space<vmem>>, vector<16xi32>,
    %get3A_169 = vector.shape_cast %get3A_168 : vector<16xi32> to vector<16xi32>
    %add3A_170 = arith.addi %mul3A_166, %get3A_169 : vector<16xi32>
    %swap3A_171 = arith.constant 176 : index
    %swap3A_172 = tpu.vector_load %arg8[%swap3A_171] {strides = array<i32>} : memref<512xi32, #tpu.memory_space<vmem>>, vector<16xi32>,
    %swap3A_173 = vector.shape_cast %swap3A_172 : vector<16xi32> to vector<16xi32>
    %swap3A_174 = vector.shape_cast %add3A_170 : vector<16xi32> to vector<16xi32>
    tpu.vector_store %arg8[%swap3A_171], %swap3A_174 {strides = array<i32>} : memref<512xi32, #tpu.memory_space<vmem>>, vector<16xi32>,
    %get3A_175 = arith.constant 192 : index
    %get3A_176 = tpu.vector_load %arg6[%get3A_175] {strides = array<i32>} : memref<512xi32, #tpu.memory_space<vmem>>, vector<16xi32>,
    %get3A_177 = vector.shape_cast %get3A_176 : vector<16xi32> to vector<16xi32>
    %mul3A_178 = arith.constant 64 : i32
    %mul3A_179 = vector.broadcast %mul3A_178 : i32 to vector<16xi32>
    %mul3A_180 = arith.muli %get3A_177, %mul3A_179 : vector<16xi32>
    %get3A_181 = arith.constant 192 : index
    %get3A_182 = tpu.vector_load %arg7[%get3A_181] {strides = array<i32>} : memref<512xi32, #tpu.memory_space<vmem>>, vector<16xi32>,
    %get3A_183 = vector.shape_cast %get3A_182 : vector<16xi32> to vector<16xi32>
    %add3A_184 = arith.addi %mul3A_180, %get3A_183 : vector<16xi32>
    %swap3A_185 = arith.constant 192 : index
    %swap3A_186 = tpu.vector_load %arg8[%swap3A_185] {strides = array<i32>} : memref<512xi32, #tpu.memory_space<vmem>>, vector<16xi32>,
    %swap3A_187 = vector.shape_cast %swap3A_186 : vector<16xi32> to vector<16xi32>
    %swap3A_188 = vector.shape_cast %add3A_184 : vector<16xi32> to vector<16xi32>
    tpu.vector_store %arg8[%swap3A_185], %swap3A_188 {strides = array<i32>} : memref<512xi32, #tpu.memory_space<vmem>>, vector<16xi32>,
    %get3A_189 = arith.constant 208 : index
    %get3A_190 = tpu.vector_load %arg6[%get3A_189] {strides = array<i32>} : memref<512xi32, #tpu.memory_space<vmem>>, vector<16xi32>,
    %get3A_191 = vector.shape_cast %get3A_190 : vector<16xi32> to vector<16xi32>
    %mul3A_192 = arith.constant 64 : i32
    %mul3A_193 = vector.broadcast %mul3A_192 : i32 to vector<16xi32>
    %mul3A_194 = arith.muli %get3A_191, %mul3A_193 : vector<16xi32>
    %get3A_195 = arith.constant 208 : index
    %get3A_196 = tpu.vector_load %arg7[%get3A_195] {strides = array<i32>} : memref<512xi32, #tpu.memory_space<vmem>>, vector<16xi32>,
    %get3A_197 = vector.shape_cast %get3A_196 : vector<16xi32> to vector<16xi32>
    %add3A_198 = arith.addi %mul3A_194, %get3A_197 : vector<16xi32>
    %swap3A_199 = arith.constant 208 : index
    %swap3A_200 = tpu.vector_load %arg8[%swap3A_199] {strides = array<i32>} : memref<512xi32, #tpu.memory_space<vmem>>, vector<16xi32>,
    %swap3A_201 = vector.shape_cast %swap3A_200 : vector<16xi32> to vector<16xi32>
    %swap3A_202 = vector.shape_cast %add3A_198 : vector<16xi32> to vector<16xi32>
    tpu.vector_store %arg8[%swap3A_199], %swap3A_202 {strides = array<i32>} : memref<512xi32, #tpu.memory_space<vmem>>, vector<16xi32>,
    %get3A_203 = arith.constant 224 : index
    %get3A_204 = tpu.vector_load %arg6[%get3A_203] {strides = array<i32>} : memref<512xi32, #tpu.memory_space<vmem>>, vector<16xi32>,
    %get3A_205 = vector.shape_cast %get3A_204 : vector<16xi32> to vector<16xi32>
    %mul3A_206 = arith.constant 64 : i32
    %mul3A_207 = vector.broadcast %mul3A_206 : i32 to vector<16xi32>
    %mul3A_208 = arith.muli %get3A_205, %mul3A_207 : vector<16xi32>
    %get3A_209 = arith.constant 224 : index
    %get3A_210 = tpu.vector_load %arg7[%get3A_209] {strides = array<i32>} : memref<512xi32, #tpu.memory_space<vmem>>, vector<16xi32>,
    %get3A_211 = vector.shape_cast %get3A_210 : vector<16xi32> to vector<16xi32>
    %add3A_212 = arith.addi %mul3A_208, %get3A_211 : vector<16xi32>
    %swap3A_213 = arith.constant 224 : index
    %swap3A_214 = tpu.vector_load %arg8[%swap3A_213] {strides = array<i32>} : memref<512xi32, #tpu.memory_space<vmem>>, vector<16xi32>,
    %swap3A_215 = vector.shape_cast %swap3A_214 : vector<16xi32> to vector<16xi32>
    %swap3A_216 = vector.shape_cast %add3A_212 : vector<16xi32> to vector<16xi32>
    tpu.vector_store %arg8[%swap3A_213], %swap3A_216 {strides = array<i32>} : memref<512xi32, #tpu.memory_space<vmem>>, vector<16xi32>,
    %get3A_217 = arith.constant 240 : index
    %get3A_218 = tpu.vector_load %arg6[%get3A_217] {strides = array<i32>} : memref<512xi32, #tpu.memory_space<vmem>>, vector<16xi32>,
    %get3A_219 = vector.shape_cast %get3A_218 : vector<16xi32> to vector<16xi32>
    %mul3A_220 = arith.constant 64 : i32
    %mul3A_221 = vector.broadcast %mul3A_220 : i32 to vector<16xi32>
    %mul3A_222 = arith.muli %get3A_219, %mul3A_221 : vector<16xi32>
    %get3A_223 = arith.constant 240 : index
    %get3A_224 = tpu.vector_load %arg7[%get3A_223] {strides = array<i32>} : memref<512xi32, #tpu.memory_space<vmem>>, vector<16xi32>,
    %get3A_225 = vector.shape_cast %get3A_224 : vector<16xi32> to vector<16xi32>
    %add3A_226 = arith.addi %mul3A_222, %get3A_225 : vector<16xi32>
    %swap3A_227 = arith.constant 240 : index
    %swap3A_228 = tpu.vector_load %arg8[%swap3A_227] {strides = array<i32>} : memref<512xi32, #tpu.memory_space<vmem>>, vector<16xi32>,
    %swap3A_229 = vector.shape_cast %swap3A_228 : vector<16xi32> to vector<16xi32>
    %swap3A_230 = vector.shape_cast %add3A_226 : vector<16xi32> to vector<16xi32>
    tpu.vector_store %arg8[%swap3A_227], %swap3A_230 {strides = array<i32>} : memref<512xi32, #tpu.memory_space<vmem>>, vector<16xi32>,
    %get3A_231 = arith.constant 256 : index
    %get3A_232 = tpu.vector_load %arg6[%get3A_231] {strides = array<i32>} : memref<512xi32, #tpu.memory_space<vmem>>, vector<16xi32>,
    %get3A_233 = vector.shape_cast %get3A_232 : vector<16xi32> to vector<16xi32>
    %mul3A_234 = arith.constant 64 : i32
    %mul3A_235 = vector.broadcast %mul3A_234 : i32 to vector<16xi32>
    %mul3A_236 = arith.muli %get3A_233, %mul3A_235 : vector<16xi32>
    %get3A_237 = arith.constant 256 : index
    %get3A_238 = tpu.vector_load %arg7[%get3A_237] {strides = array<i32>} : memref<512xi32, #tpu.memory_space<vmem>>, vector<16xi32>,
    %get3A_239 = vector.shape_cast %get3A_238 : vector<16xi32> to vector<16xi32>
    %add3A_240 = arith.addi %mul3A_236, %get3A_239 : vector<16xi32>
    %swap3A_241 = arith.constant 256 : index
    %swap3A_242 = tpu.vector_load %arg8[%swap3A_241] {strides = array<i32>} : memref<512xi32, #tpu.memory_space<vmem>>, vector<16xi32>,
    %swap3A_243 = vector.shape_cast %swap3A_242 : vector<16xi32> to vector<16xi32>
    %swap3A_244 = vector.shape_cast %add3A_240 : vector<16xi32> to vector<16xi32>
    tpu.vector_store %arg8[%swap3A_241], %swap3A_244 {strides = array<i32>} : memref<512xi32, #tpu.memory_space<vmem>>, vector<16xi32>,
    %get3A_245 = arith.constant 272 : index
    %get3A_246 = tpu.vector_load %arg6[%get3A_245] {strides = array<i32>} : memref<512xi32, #tpu.memory_space<vmem>>, vector<16xi32>,
    %get3A_247 = vector.shape_cast %get3A_246 : vector<16xi32> to vector<16xi32>
    %mul3A_248 = arith.constant 64 : i32
    %mul3A_249 = vector.broadcast %mul3A_248 : i32 to vector<16xi32>
    %mul3A_250 = arith.muli %get3A_247, %mul3A_249 : vector<16xi32>
    %get3A_251 = arith.constant 272 : index
    %get3A_252 = tpu.vector_load %arg7[%get3A_251] {strides = array<i32>} : memref<512xi32, #tpu.memory_space<vmem>>, vector<16xi32>,
    %get3A_253 = vector.shape_cast %get3A_252 : vector<16xi32> to vector<16xi32>
    %add3A_254 = arith.addi %mul3A_250, %get3A_253 : vector<16xi32>
    %swap3A_255 = arith.constant 272 : index
    %swap3A_256 = tpu.vector_load %arg8[%swap3A_255] {strides = array<i32>} : memref<512xi32, #tpu.memory_space<vmem>>, vector<16xi32>,
    %swap3A_257 = vector.shape_cast %swap3A_256 : vector<16xi32> to vector<16xi32>
    %swap3A_258 = vector.shape_cast %add3A_254 : vector<16xi32> to vector<16xi32>
    tpu.vector_store %arg8[%swap3A_255], %swap3A_258 {strides = array<i32>} : memref<512xi32, #tpu.memory_space<vmem>>, vector<16xi32>,
    %get3A_259 = arith.constant 288 : index
    %get3A_260 = tpu.vector_load %arg6[%get3A_259] {strides = array<i32>} : memref<512xi32, #tpu.memory_space<vmem>>, vector<16xi32>,
    %get3A_261 = vector.shape_cast %get3A_260 : vector<16xi32> to vector<16xi32>
    %mul3A_262 = arith.constant 64 : i32
    %mul3A_263 = vector.broadcast %mul3A_262 : i32 to vector<16xi32>
    %mul3A_264 = arith.muli %get3A_261, %mul3A_263 : vector<16xi32>
    %get3A_265 = arith.constant 288 : index
    %get3A_266 = tpu.vector_load %arg7[%get3A_265] {strides = array<i32>} : memref<512xi32, #tpu.memory_space<vmem>>, vector<16xi32>,
    %get3A_267 = vector.shape_cast %get3A_266 : vector<16xi32> to vector<16xi32>
    %add3A_268 = arith.addi %mul3A_264, %get3A_267 : vector<16xi32>
    %swap3A_269 = arith.constant 288 : index
    %swap3A_270 = tpu.vector_load %arg8[%swap3A_269] {strides = array<i32>} : memref<512xi32, #tpu.memory_space<vmem>>, vector<16xi32>,
    %swap3A_271 = vector.shape_cast %swap3A_270 : vector<16xi32> to vector<16xi32>
    %swap3A_272 = vector.shape_cast %add3A_268 : vector<16xi32> to vector<16xi32>
    tpu.vector_store %arg8[%swap3A_269], %swap3A_272 {strides = array<i32>} : memref<512xi32, #tpu.memory_space<vmem>>, vector<16xi32>,
    %get3A_273 = arith.constant 304 : index
    %get3A_274 = tpu.vector_load %arg6[%get3A_273] {strides = array<i32>} : memref<512xi32, #tpu.memory_space<vmem>>, vector<16xi32>,
    %get3A_275 = vector.shape_cast %get3A_274 : vector<16xi32> to vector<16xi32>
    %mul3A_276 = arith.constant 64 : i32
    %mul3A_277 = vector.broadcast %mul3A_276 : i32 to vector<16xi32>
    %mul3A_278 = arith.muli %get3A_275, %mul3A_277 : vector<16xi32>
    %get3A_279 = arith.constant 304 : index
    %get3A_280 = tpu.vector_load %arg7[%get3A_279] {strides = array<i32>} : memref<512xi32, #tpu.memory_space<vmem>>, vector<16xi32>,
    %get3A_281 = vector.shape_cast %get3A_280 : vector<16xi32> to vector<16xi32>
    %add3A_282 = arith.addi %mul3A_278, %get3A_281 : vector<16xi32>
    %swap3A_283 = arith.constant 304 : index
    %swap3A_284 = tpu.vector_load %arg8[%swap3A_283] {strides = array<i32>} : memref<512xi32, #tpu.memory_space<vmem>>, vector<16xi32>,
    %swap3A_285 = vector.shape_cast %swap3A_284 : vector<16xi32> to vector<16xi32>
    %swap3A_286 = vector.shape_cast %add3A_282 : vector<16xi32> to vector<16xi32>
    tpu.vector_store %arg8[%swap3A_283], %swap3A_286 {strides = array<i32>} : memref<512xi32, #tpu.memory_space<vmem>>, vector<16xi32>,
    %get3A_287 = arith.constant 320 : index
    %get3A_288 = tpu.vector_load %arg6[%get3A_287] {strides = array<i32>} : memref<512xi32, #tpu.memory_space<vmem>>, vector<16xi32>,
    %get3A_289 = vector.shape_cast %get3A_288 : vector<16xi32> to vector<16xi32>
    %mul3A_290 = arith.constant 64 : i32
    %mul3A_291 = vector.broadcast %mul3A_290 : i32 to vector<16xi32>
    %mul3A_292 = arith.muli %get3A_289, %mul3A_291 : vector<16xi32>
    %get3A_293 = arith.constant 320 : index
    %get3A_294 = tpu.vector_load %arg7[%get3A_293] {strides = array<i32>} : memref<512xi32, #tpu.memory_space<vmem>>, vector<16xi32>,
    %get3A_295 = vector.shape_cast %get3A_294 : vector<16xi32> to vector<16xi32>
    %add3A_296 = arith.addi %mul3A_292, %get3A_295 : vector<16xi32>
    %swap3A_297 = arith.constant 320 : index
    %swap3A_298 = tpu.vector_load %arg8[%swap3A_297] {strides = array<i32>} : memref<512xi32, #tpu.memory_space<vmem>>, vector<16xi32>,
    %swap3A_299 = vector.shape_cast %swap3A_298 : vector<16xi32> to vector<16xi32>
    %swap3A_300 = vector.shape_cast %add3A_296 : vector<16xi32> to vector<16xi32>
    tpu.vector_store %arg8[%swap3A_297], %swap3A_300 {strides = array<i32>} : memref<512xi32, #tpu.memory_space<vmem>>, vector<16xi32>,
    %get3A_301 = arith.constant 336 : index
    %get3A_302 = tpu.vector_load %arg6[%get3A_301] {strides = array<i32>} : memref<512xi32, #tpu.memory_space<vmem>>, vector<16xi32>,
    %get3A_303 = vector.shape_cast %get3A_302 : vector<16xi32> to vector<16xi32>
    %mul3A_304 = arith.constant 64 : i32
    %mul3A_305 = vector.broadcast %mul3A_304 : i32 to vector<16xi32>
    %mul3A_306 = arith.muli %get3A_303, %mul3A_305 : vector<16xi32>
    %get3A_307 = arith.constant 336 : index
    %get3A_308 = tpu.vector_load %arg7[%get3A_307] {strides = array<i32>} : memref<512xi32, #tpu.memory_space<vmem>>, vector<16xi32>,
    %get3A_309 = vector.shape_cast %get3A_308 : vector<16xi32> to vector<16xi32>
    %add3A_310 = arith.addi %mul3A_306, %get3A_309 : vector<16xi32>
    %swap3A_311 = arith.constant 336 : index
    %swap3A_312 = tpu.vector_load %arg8[%swap3A_311] {strides = array<i32>} : memref<512xi32, #tpu.memory_space<vmem>>, vector<16xi32>,
    %swap3A_313 = vector.shape_cast %swap3A_312 : vector<16xi32> to vector<16xi32>
    %swap3A_314 = vector.shape_cast %add3A_310 : vector<16xi32> to vector<16xi32>
    tpu.vector_store %arg8[%swap3A_311], %swap3A_314 {strides = array<i32>} : memref<512xi32, #tpu.memory_space<vmem>>, vector<16xi32>,
    %get3A_315 = arith.constant 352 : index
    %get3A_316 = tpu.vector_load %arg6[%get3A_315] {strides = array<i32>} : memref<512xi32, #tpu.memory_space<vmem>>, vector<16xi32>,
    %get3A_317 = vector.shape_cast %get3A_316 : vector<16xi32> to vector<16xi32>
    %mul3A_318 = arith.constant 64 : i32
    %mul3A_319 = vector.broadcast %mul3A_318 : i32 to vector<16xi32>
    %mul3A_320 = arith.muli %get3A_317, %mul3A_319 : vector<16xi32>
    %get3A_321 = arith.constant 352 : index
    %get3A_322 = tpu.vector_load %arg7[%get3A_321] {strides = array<i32>} : memref<512xi32, #tpu.memory_space<vmem>>, vector<16xi32>,
    %get3A_323 = vector.shape_cast %get3A_322 : vector<16xi32> to vector<16xi32>
    %add3A_324 = arith.addi %mul3A_320, %get3A_323 : vector<16xi32>
    %swap3A_325 = arith.constant 352 : index
    %swap3A_326 = tpu.vector_load %arg8[%swap3A_325] {strides = array<i32>} : memref<512xi32, #tpu.memory_space<vmem>>, vector<16xi32>,
    %swap3A_327 = vector.shape_cast %swap3A_326 : vector<16xi32> to vector<16xi32>
    %swap3A_328 = vector.shape_cast %add3A_324 : vector<16xi32> to vector<16xi32>
    tpu.vector_store %arg8[%swap3A_325], %swap3A_328 {strides = array<i32>} : memref<512xi32, #tpu.memory_space<vmem>>, vector<16xi32>,
    %get3A_329 = arith.constant 368 : index
    %get3A_330 = tpu.vector_load %arg6[%get3A_329] {strides = array<i32>} : memref<512xi32, #tpu.memory_space<vmem>>, vector<16xi32>,
    %get3A_331 = vector.shape_cast %get3A_330 : vector<16xi32> to vector<16xi32>
    %mul3A_332 = arith.constant 64 : i32
    %mul3A_333 = vector.broadcast %mul3A_332 : i32 to vector<16xi32>
    %mul3A_334 = arith.muli %get3A_331, %mul3A_333 : vector<16xi32>
    %get3A_335 = arith.constant 368 : index
    %get3A_336 = tpu.vector_load %arg7[%get3A_335] {strides = array<i32>} : memref<512xi32, #tpu.memory_space<vmem>>, vector<16xi32>,
    %get3A_337 = vector.shape_cast %get3A_336 : vector<16xi32> to vector<16xi32>
    %add3A_338 = arith.addi %mul3A_334, %get3A_337 : vector<16xi32>
    %swap3A_339 = arith.constant 368 : index
    %swap3A_340 = tpu.vector_load %arg8[%swap3A_339] {strides = array<i32>} : memref<512xi32, #tpu.memory_space<vmem>>, vector<16xi32>,
    %swap3A_341 = vector.shape_cast %swap3A_340 : vector<16xi32> to vector<16xi32>
    %swap3A_342 = vector.shape_cast %add3A_338 : vector<16xi32> to vector<16xi32>
    tpu.vector_store %arg8[%swap3A_339], %swap3A_342 {strides = array<i32>} : memref<512xi32, #tpu.memory_space<vmem>>, vector<16xi32>,
    %get3A_343 = arith.constant 384 : index
    %get3A_344 = tpu.vector_load %arg6[%get3A_343] {strides = array<i32>} : memref<512xi32, #tpu.memory_space<vmem>>, vector<16xi32>,
    %get3A_345 = vector.shape_cast %get3A_344 : vector<16xi32> to vector<16xi32>
    %mul3A_346 = arith.constant 64 : i32
    %mul3A_347 = vector.broadcast %mul3A_346 : i32 to vector<16xi32>
    %mul3A_348 = arith.muli %get3A_345, %mul3A_347 : vector<16xi32>
    %get3A_349 = arith.constant 384 : index
    %get3A_350 = tpu.vector_load %arg7[%get3A_349] {strides = array<i32>} : memref<512xi32, #tpu.memory_space<vmem>>, vector<16xi32>,
    %get3A_351 = vector.shape_cast %get3A_350 : vector<16xi32> to vector<16xi32>
    %add3A_352 = arith.addi %mul3A_348, %get3A_351 : vector<16xi32>
    %swap3A_353 = arith.constant 384 : index
    %swap3A_354 = tpu.vector_load %arg8[%swap3A_353] {strides = array<i32>} : memref<512xi32, #tpu.memory_space<vmem>>, vector<16xi32>,
    %swap3A_355 = vector.shape_cast %swap3A_354 : vector<16xi32> to vector<16xi32>
    %swap3A_356 = vector.shape_cast %add3A_352 : vector<16xi32> to vector<16xi32>
    tpu.vector_store %arg8[%swap3A_353], %swap3A_356 {strides = array<i32>} : memref<512xi32, #tpu.memory_space<vmem>>, vector<16xi32>,
    %get3A_357 = arith.constant 400 : index
    %get3A_358 = tpu.vector_load %arg6[%get3A_357] {strides = array<i32>} : memref<512xi32, #tpu.memory_space<vmem>>, vector<16xi32>,
    %get3A_359 = vector.shape_cast %get3A_358 : vector<16xi32> to vector<16xi32>
    %mul3A_360 = arith.constant 64 : i32
    %mul3A_361 = vector.broadcast %mul3A_360 : i32 to vector<16xi32>
    %mul3A_362 = arith.muli %get3A_359, %mul3A_361 : vector<16xi32>
    %get3A_363 = arith.constant 400 : index
    %get3A_364 = tpu.vector_load %arg7[%get3A_363] {strides = array<i32>} : memref<512xi32, #tpu.memory_space<vmem>>, vector<16xi32>,
    %get3A_365 = vector.shape_cast %get3A_364 : vector<16xi32> to vector<16xi32>
    %add3A_366 = arith.addi %mul3A_362, %get3A_365 : vector<16xi32>
    %swap3A_367 = arith.constant 400 : index
    %swap3A_368 = tpu.vector_load %arg8[%swap3A_367] {strides = array<i32>} : memref<512xi32, #tpu.memory_space<vmem>>, vector<16xi32>,
    %swap3A_369 = vector.shape_cast %swap3A_368 : vector<16xi32> to vector<16xi32>
    %swap3A_370 = vector.shape_cast %add3A_366 : vector<16xi32> to vector<16xi32>
    tpu.vector_store %arg8[%swap3A_367], %swap3A_370 {strides = array<i32>} : memref<512xi32, #tpu.memory_space<vmem>>, vector<16xi32>,
    %get3A_371 = arith.constant 416 : index
    %get3A_372 = tpu.vector_load %arg6[%get3A_371] {strides = array<i32>} : memref<512xi32, #tpu.memory_space<vmem>>, vector<16xi32>,
    %get3A_373 = vector.shape_cast %get3A_372 : vector<16xi32> to vector<16xi32>
    %mul3A_374 = arith.constant 64 : i32
    %mul3A_375 = vector.broadcast %mul3A_374 : i32 to vector<16xi32>
    %mul3A_376 = arith.muli %get3A_373, %mul3A_375 : vector<16xi32>
    %get3A_377 = arith.constant 416 : index
    %get3A_378 = tpu.vector_load %arg7[%get3A_377] {strides = array<i32>} : memref<512xi32, #tpu.memory_space<vmem>>, vector<16xi32>,
    %get3A_379 = vector.shape_cast %get3A_378 : vector<16xi32> to vector<16xi32>
    %add3A_380 = arith.addi %mul3A_376, %get3A_379 : vector<16xi32>
    %swap3A_381 = arith.constant 416 : index
    %swap3A_382 = tpu.vector_load %arg8[%swap3A_381] {strides = array<i32>} : memref<512xi32, #tpu.memory_space<vmem>>, vector<16xi32>,
    %swap3A_383 = vector.shape_cast %swap3A_382 : vector<16xi32> to vector<16xi32>
    %swap3A_384 = vector.shape_cast %add3A_380 : vector<16xi32> to vector<16xi32>
    tpu.vector_store %arg8[%swap3A_381], %swap3A_384 {strides = array<i32>} : memref<512xi32, #tpu.memory_space<vmem>>, vector<16xi32>,
    %get3A_385 = arith.constant 432 : index
    %get3A_386 = tpu.vector_load %arg6[%get3A_385] {strides = array<i32>} : memref<512xi32, #tpu.memory_space<vmem>>, vector<16xi32>,
    %get3A_387 = vector.shape_cast %get3A_386 : vector<16xi32> to vector<16xi32>
    %mul3A_388 = arith.constant 64 : i32
    %mul3A_389 = vector.broadcast %mul3A_388 : i32 to vector<16xi32>
    %mul3A_390 = arith.muli %get3A_387, %mul3A_389 : vector<16xi32>
    %get3A_391 = arith.constant 432 : index
    %get3A_392 = tpu.vector_load %arg7[%get3A_391] {strides = array<i32>} : memref<512xi32, #tpu.memory_space<vmem>>, vector<16xi32>,
    %get3A_393 = vector.shape_cast %get3A_392 : vector<16xi32> to vector<16xi32>
    %add3A_394 = arith.addi %mul3A_390, %get3A_393 : vector<16xi32>
    %swap3A_395 = arith.constant 432 : index
    %swap3A_396 = tpu.vector_load %arg8[%swap3A_395] {strides = array<i32>} : memref<512xi32, #tpu.memory_space<vmem>>, vector<16xi32>,
    %swap3A_397 = vector.shape_cast %swap3A_396 : vector<16xi32> to vector<16xi32>
    %swap3A_398 = vector.shape_cast %add3A_394 : vector<16xi32> to vector<16xi32>
    tpu.vector_store %arg8[%swap3A_395], %swap3A_398 {strides = array<i32>} : memref<512xi32, #tpu.memory_space<vmem>>, vector<16xi32>,
    %get3A_399 = arith.constant 448 : index
    %get3A_400 = tpu.vector_load %arg6[%get3A_399] {strides = array<i32>} : memref<512xi32, #tpu.memory_space<vmem>>, vector<16xi32>,
    %get3A_401 = vector.shape_cast %get3A_400 : vector<16xi32> to vector<16xi32>
    %mul3A_402 = arith.constant 64 : i32
    %mul3A_403 = vector.broadcast %mul3A_402 : i32 to vector<16xi32>
    %mul3A_404 = arith.muli %get3A_401, %mul3A_403 : vector<16xi32>
    %get3A_405 = arith.constant 448 : index
    %get3A_406 = tpu.vector_load %arg7[%get3A_405] {strides = array<i32>} : memref<512xi32, #tpu.memory_space<vmem>>, vector<16xi32>,
    %get3A_407 = vector.shape_cast %get3A_406 : vector<16xi32> to vector<16xi32>
    %add3A_408 = arith.addi %mul3A_404, %get3A_407 : vector<16xi32>
    %swap3A_409 = arith.constant 448 : index
    %swap3A_410 = tpu.vector_load %arg8[%swap3A_409] {strides = array<i32>} : memref<512xi32, #tpu.memory_space<vmem>>, vector<16xi32>,
    %swap3A_411 = vector.shape_cast %swap3A_410 : vector<16xi32> to vector<16xi32>
    %swap3A_412 = vector.shape_cast %add3A_408 : vector<16xi32> to vector<16xi32>
    tpu.vector_store %arg8[%swap3A_409], %swap3A_412 {strides = array<i32>} : memref<512xi32, #tpu.memory_space<vmem>>, vector<16xi32>,
    %get3A_413 = arith.constant 464 : index
    %get3A_414 = tpu.vector_load %arg6[%get3A_413] {strides = array<i32>} : memref<512xi32, #tpu.memory_space<vmem>>, vector<16xi32>,
    %get3A_415 = vector.shape_cast %get3A_414 : vector<16xi32> to vector<16xi32>
    %mul3A_416 = arith.constant 64 : i32
    %mul3A_417 = vector.broadcast %mul3A_416 : i32 to vector<16xi32>
    %mul3A_418 = arith.muli %get3A_415, %mul3A_417 : vector<16xi32>
    %get3A_419 = arith.constant 464 : index
    %get3A_420 = tpu.vector_load %arg7[%get3A_419] {strides = array<i32>} : memref<512xi32, #tpu.memory_space<vmem>>, vector<16xi32>,
    %get3A_421 = vector.shape_cast %get3A_420 : vector<16xi32> to vector<16xi32>
    %add3A_422 = arith.addi %mul3A_418, %get3A_421 : vector<16xi32>
    %swap3A_423 = arith.constant 464 : index
    %swap3A_424 = tpu.vector_load %arg8[%swap3A_423] {strides = array<i32>} : memref<512xi32, #tpu.memory_space<vmem>>, vector<16xi32>,
    %swap3A_425 = vector.shape_cast %swap3A_424 : vector<16xi32> to vector<16xi32>
    %swap3A_426 = vector.shape_cast %add3A_422 : vector<16xi32> to vector<16xi32>
    tpu.vector_store %arg8[%swap3A_423], %swap3A_426 {strides = array<i32>} : memref<512xi32, #tpu.memory_space<vmem>>, vector<16xi32>,
    %get3A_427 = arith.constant 480 : index
    %get3A_428 = tpu.vector_load %arg6[%get3A_427] {strides = array<i32>} : memref<512xi32, #tpu.memory_space<vmem>>, vector<16xi32>,
    %get3A_429 = vector.shape_cast %get3A_428 : vector<16xi32> to vector<16xi32>
    %mul3A_430 = arith.constant 64 : i32
    %mul3A_431 = vector.broadcast %mul3A_430 : i32 to vector<16xi32>
    %mul3A_432 = arith.muli %get3A_429, %mul3A_431 : vector<16xi32>
    %get3A_433 = arith.constant 480 : index
    %get3A_434 = tpu.vector_load %arg7[%get3A_433] {strides = array<i32>} : memref<512xi32, #tpu.memory_space<vmem>>, vector<16xi32>,
    %get3A_435 = vector.shape_cast %get3A_434 : vector<16xi32> to vector<16xi32>
    %add3A_436 = arith.addi %mul3A_432, %get3A_435 : vector<16xi32>
    %swap3A_437 = arith.constant 480 : index
    %swap3A_438 = tpu.vector_load %arg8[%swap3A_437] {strides = array<i32>} : memref<512xi32, #tpu.memory_space<vmem>>, vector<16xi32>,
    %swap3A_439 = vector.shape_cast %swap3A_438 : vector<16xi32> to vector<16xi32>
    %swap3A_440 = vector.shape_cast %add3A_436 : vector<16xi32> to vector<16xi32>
    tpu.vector_store %arg8[%swap3A_437], %swap3A_440 {strides = array<i32>} : memref<512xi32, #tpu.memory_space<vmem>>, vector<16xi32>,
    %get3A_441 = arith.constant 496 : index
    %get3A_442 = tpu.vector_load %arg6[%get3A_441] {strides = array<i32>} : memref<512xi32, #tpu.memory_space<vmem>>, vector<16xi32>,
    %get3A_443 = vector.shape_cast %get3A_442 : vector<16xi32> to vector<16xi32>
    %mul3A_444 = arith.constant 64 : i32
    %mul3A_445 = vector.broadcast %mul3A_444 : i32 to vector<16xi32>
    %mul3A_446 = arith.muli %get3A_443, %mul3A_445 : vector<16xi32>
    %get3A_447 = arith.constant 496 : index
    %get3A_448 = tpu.vector_load %arg7[%get3A_447] {strides = array<i32>} : memref<512xi32, #tpu.memory_space<vmem>>, vector<16xi32>,
    %get3A_449 = vector.shape_cast %get3A_448 : vector<16xi32> to vector<16xi32>
    %add3A_450 = arith.addi %mul3A_446, %get3A_449 : vector<16xi32>
    %swap3A_451 = arith.constant 496 : index
    %swap3A_452 = tpu.vector_load %arg8[%swap3A_451] {strides = array<i32>} : memref<512xi32, #tpu.memory_space<vmem>>, vector<16xi32>,
    %swap3A_453 = vector.shape_cast %swap3A_452 : vector<16xi32> to vector<16xi32>
    %swap3A_454 = vector.shape_cast %add3A_450 : vector<16xi32> to vector<16xi32>
    tpu.vector_store %arg8[%swap3A_451], %swap3A_454 {strides = array<i32>} : memref<512xi32, #tpu.memory_space<vmem>>, vector<16xi32>,
    %dma_start3A_455 = arith.constant 0 : i32
    %dma_start3A_456 = arith.constant 0 : i32
    %dma_start3A_457 = tpu.memref_slice %arg4[%dma_start3A_455, %dma_start3A_456] : memref<4096x128xf32, #tpu.memory_space<hbm>> -> memref<4096x128xf32, #tpu.memory_space<hbm>>
    tpu.enqueue_indirect_dma source(%dma_start3A_457 : memref<4096x128xf32, #tpu.memory_space<hbm>>) target(%arg9 : memref<512x128xf32, #tpu.memory_space<vmem>>) offsets(%arg8 : memref<512xi32, #tpu.memory_space<vmem>>) semaphore(%arg10 : memref<!tpu.dma_semaphore, #tpu.memory_space<semaphore_mem>>)
    %dma_wait3A_458 = arith.constant 0 : i32
    %dma_wait3A_459 = arith.constant 0 : i32
    %dma_wait3A_460 = tpu.memref_slice %arg4[%dma_wait3A_458, %dma_wait3A_459] : memref<4096x128xf32, #tpu.memory_space<hbm>> -> memref<4096x128xf32, #tpu.memory_space<hbm>>
    tpu.wait_indirect_dma semaphore(%arg10 : memref<!tpu.dma_semaphore, #tpu.memory_space<semaphore_mem>>) src(%dma_wait3A_460 : memref<4096x128xf32, #tpu.memory_space<hbm>>) dst(%arg9 : memref<512x128xf32, #tpu.memory_space<vmem>>)
    %dma_start3A_461 = arith.constant 0 : i32
    %dma_start3A_462 = tpu.memref_slice %arg5[%mul3A_2, %dma_start3A_461] : memref<16384x128xf32, #tpu.memory_space<hbm>> -> memref<512x128xf32, #tpu.memory_space<hbm>>
    %dma_start3A_463 = arith.constant 0 : i32
    %dma_start3A_464 = tpu.memref_slice %arg5[%mul3A_2, %dma_start3A_463] : memref<16384x128xf32, #tpu.memory_space<hbm>> -> memref<512x128xf32, #tpu.memory_space<hbm>>
    tpu.enqueue_dma source(%arg9 : memref<512x128xf32, #tpu.memory_space<vmem>>) target(%dma_start3A_464 : memref<512x128xf32, #tpu.memory_space<hbm>>) target_semaphore(%arg11 : memref<!tpu.dma_semaphore, #tpu.memory_space<semaphore_mem>>)
    %dma_wait3A_465 = arith.constant 0 : i32
    %dma_wait3A_466 = tpu.memref_slice %arg5[%mul3A_2, %dma_wait3A_465] : memref<16384x128xf32, #tpu.memory_space<hbm>> -> memref<512x128xf32, #tpu.memory_space<hbm>>
    %dma_wait3A_467 = arith.constant 0 : i32
    %dma_wait3A_468 = tpu.memref_slice %arg5[%mul3A_2, %dma_wait3A_467] : memref<16384x128xf32, #tpu.memory_space<hbm>> -> memref<512x128xf32, #tpu.memory_space<hbm>>
    tpu.wait_dma2 semaphore(%arg11 : memref<!tpu.dma_semaphore, #tpu.memory_space<semaphore_mem>>) src(%arg9 : memref<512x128xf32, #tpu.memory_space<vmem>>) dst(%dma_wait3A_468 : memref<512x128xf32, #tpu.memory_space<hbm>>)
    return
  }
}

</mosaic_0001>

<sc_bundles>
// kernel: kernel.3.cloned.1.call-start
scs
__scs_entry_jumppad:
0x0: {  	(pc) =	sbr.rel $0x88, $3  }
0x1: {  	(tag) =	ssettag $0x0;
	lr =	simm.s32 $0x1  }
0x2: {  	[smem:$0x3F9E] =	sst lr;
	_ =	strace $0xD0000000  }
0x3: {  	_ = 	snop  }
0x4: {  	_ = 	snop  }
0x5: {  	_ = 	snop  }
0x6: {  	_ = 	snop  }
0x7: {  	_ = 	snop  }
__scs_overlays_trampoline_lowered:
0x8: {  	[smem:$0x3FAD] =	sst s0  }
0x9: {  	[smem:$0x3FAE] =	sst s1  }
0xa: {  	[smem:$0x3FAF] =	sst s2  }
0xb: {  	[smem:$0x3FB0] =	sst s3  }
0xc: {  	[smem:$0x3FB1] =	sst s4  }
0xd: {  	[smem:$0x3FB2] =	sst s5  }
0xe: {  	[smem:$0x3FB3] =	sst s6  }
0xf: {  	[smem:$0x3FB4] =	sst s7  }
0x10: {  	[smem:$0x3FB5] =	sst s8  }
0x11: {  	[smem:$0x3FB6] =	sst s9;
	s0 =	simm.s32 @!p0 $0x0  }
0x12: {  	s1 =	sld [smem:$0x3F9C];
	s0 =	simm.s32 @p0 $0x1  }
0x13: {  	[smem:$0x3FB7] =	sst s0;
	s0 =	simm.s32 @!p1 $0x0  }
0x14: {  	s2 =	sld [smem:$0x3F9B];
	s0 =	simm.s32 @p1 $0x1  }
0x15: {  	[smem:$0x3FB8] =	sst s0;
	s0 =	simm.s32 @!p2 $0x0  }
0x16: {  	s3 =	sld [smem:$0x3FDB];
	s0 =	simm.s32 @p2 $0x1  }
0x17: {  	s4 =	simm.s32 $0x1BF5;
	[smem:$0x3FBA] =	sst s0  }
0x18: {  	s0 =	sld [smem:$0x3F9D];
	_ =	swait.ge [sflag:s4], $0x0  }
0x19: {  	s7 =	sld [smem:$0x3F9E]  }
0x1a: {  	s8 =	sadd.s32 $0xFFFFE003, lr  }
0x1b: {  	s9 =	sadd.s32 $0xFFFFFEF7, lr;
	s5 =	simm.s32 $0xFFFFFFFF;
	p2 =	slt.u32 s8, $0xFFFFF086  }
0x1c: {  	p1 =	slt.u32 s9, $0xF7A;
	s5 =	simm.s32 @!p2 $0x0  }
0x1d: {  	s5 =	simm.s32 @p1 $0x1;
	p0 =	seq.s32 s7, s2  }
0x1e: {  	s7 =	smul.u32 @!p0 $0xF7A, s2;
	p2 =	seq.s32 @!p0 s5, $0x0  }
0x1f: {  	s9 =	smul.u32 $0xF7A, s1;
	s8 =	simm.s32 @!p0 $0x1BF5;
	p2 =	por !p2, p0  }
0x20: {  	[sflag:s8] =	ssyncset.s32 @!p0 $0xFFFFF086;
	s6 =	sadd.s32 @!p0 s3, s7;
	s7 =	simm.s32 @!p0 $0x108  }
0x21: {  	s3 =	sadd.s32 s3, s9;
	s6 =	sadd.s32 @!p0 $0x88, s6;
	s7 =	simm.s32 @p2 $0x1082  }
0x22: {  	[simem:s7], [sflag:s8] =	dma.local @!p0 [hbm:s6], $0xF7A  }
0x23: {  	s9 =	sor.u32 $0xD0000000, s2;
	s6 =	simm.s32 $0x108;
	_ =	swait.ge @!p0 [sflag:s8], $0x0  }
0x24: {  	s3 =	sadd.s32 $0x88, s3;
	s6 =	simm.s32 @!p1 $0x1082;
	[sflag:s4] =	ssyncset.s32 $0xFFFFF086  }
0x25: {  	[simem:s6], [sflag:s4] =	dma.local [hbm:s3], $0xF7A  }
0x26: {  	[smem:$0x3F9E] =	sst s1;
	(tag) =	ssettag s2;
	_ =	strace s9  }
0x27: {  	s1 =	sld [smem:$0x3FAE]  }
0x28: {  	s2 =	sld [smem:$0x3FAF]  }
0x29: {  	s4 =	sld [smem:$0x3FB1]  }
0x2a: {  	p0 =	seq.s32 s5, $0x0;
	s5 =	sld [smem:$0x3FB2]  }
0x2b: {  	s6 =	sld [smem:$0x3FB3]  }
0x2c: {  	s7 =	sld [smem:$0x3FB4]  }
0x2d: {  	s3 =	simm.s32 $0x108;
	s8 =	sld [smem:$0x3FB5]  }
0x2e: {  	s3 =	simm.s32 @!p0 $0x1082;
	s9 =	sld [smem:$0x3FB6]  }
0x2f: {  	lr =	sadd.s32 s0, s3;
	s0 =	sld [smem:$0x3FAD]  }
0x30: {  	s3 =	sld [smem:$0x3FB0]  }
0x31: {  	[smem:$0x3FB9] =	sst s10  }
0x32: {  	s10 =	sld [smem:$0x3FB7];
	_ =	sdelay $0x3  }
0x33: {  	p0 =	seq.s32 s10, $0x1;
	s10 =	sld [smem:$0x3FB9];
	_ =	sdelay $0x3  }
0x34: {  	[smem:$0x3FB9] =	sst s10  }
0x35: {  	s10 =	sld [smem:$0x3FB8];
	_ =	sdelay $0x3  }
0x36: {  	p1 =	seq.s32 s10, $0x1;
	s10 =	sld [smem:$0x3FB9];
	_ =	sdelay $0x3  }
0x37: {  	[smem:$0x3FB9] =	sst s10  }
0x38: {  	s10 =	sld [smem:$0x3FBA]  }
0x39: {  	_ = 	snop;
	(pc) =	sbr.ind lr, $3  }
0x3a: {  	_ = 	snop  }
0x3b: {  	_ = 	snop  }
0x3c: {  	p2 =	seq.s32 s10, $0x1;
	s10 =	sld [smem:$0x3FB9]  }
0x3d: {  	_ =	shalt  }
0x3e: {  	_ =	shalt  }
0x3f: {  	_ =	shalt  }
0x40: {  	_ =	shalt  }
0x41: {  	_ =	shalt  }
0x42: {  	_ =	shalt  }
0x43: {  	_ =	shalt  }
0x44: {  	_ =	shalt  }
0x45: {  	_ =	shalt  }
0x46: {  	_ =	shalt  }
0x47: {  	_ =	shalt  }
0x48: {  	_ =	shalt  }
0x49: {  	_ =	shalt  }
0x4a: {  	_ =	shalt  }
0x4b: {  	_ =	shalt  }
0x4c: {  	_ =	shalt  }
0x4d: {  	_ =	shalt  }
0x4e: {  	_ =	shalt  }
0x4f: {  	_ =	shalt  }
0x50: {  	_ =	shalt  }
0x51: {  	_ =	shalt  }
0x52: {  	_ =	shalt  }
0x53: {  	_ =	shalt  }
0x54: {  	_ =	shalt  }
0x55: {  	_ =	shalt  }
0x56: {  	_ =	shalt  }
0x57: {  	_ =	shalt  }
0x58: {  	_ =	shalt  }
0x59: {  	_ =	shalt  }
0x5a: {  	_ =	shalt  }
0x5b: {  	_ =	shalt  }
0x5c: {  	_ =	shalt  }
0x5d: {  	_ =	shalt  }
0x5e: {  	_ =	shalt  }
0x5f: {  	_ =	shalt  }
0x60: {  	_ =	shalt  }
0x61: {  	_ =	shalt  }
0x62: {  	_ =	shalt  }
0x63: {  	_ =	shalt  }
0x64: {  	_ =	shalt  }
0x65: {  	_ =	shalt  }
0x66: {  	_ =	shalt  }
0x67: {  	_ =	shalt  }
0x68: {  	_ =	shalt  }
0x69: {  	_ =	shalt  }
0x6a: {  	_ =	shalt  }
0x6b: {  	_ =	shalt  }
0x6c: {  	_ =	shalt  }
0x6d: {  	_ =	shalt  }
0x6e: {  	_ =	shalt  }
0x6f: {  	_ =	shalt  }
0x70: {  	_ =	shalt  }
0x71: {  	_ =	shalt  }
0x72: {  	_ =	shalt  }
0x73: {  	_ =	shalt  }
0x74: {  	_ =	shalt  }
0x75: {  	_ =	shalt  }
0x76: {  	_ =	shalt  }
0x77: {  	_ =	shalt  }
0x78: {  	_ =	shalt  }
0x79: {  	_ =	shalt  }
0x7a: {  	_ =	shalt  }
0x7b: {  	_ =	shalt  }
0x7c: {  	_ =	shalt  }
0x7d: {  	_ =	shalt  }
0x7e: {  	_ =	shalt  }
0x7f: {  	_ =	shalt  }
0x80: {  	_ =	shalt  }
0x81: {  	_ =	shalt  }
0x82: {  	_ =	shalt  }
0x83: {  	_ =	shalt  }
0x84: {  	_ =	shalt  }
0x85: {  	_ =	shalt  }
0x86: {  	_ =	shalt  }
0x87: {  	_ =	shalt  }
.Lfunc_end0:
.L_simem_size_0:
called_computation_lowered:
.L_overlay_start_0:
0x88: {  	s2 =	sld [smem:$0x3FD9]  }
0x89: {  	s3 =	sld [smem:$0x3FFE];
	_ =	sdelay $0x1  }
0x8a: {  	s1 =	srdreg.scid  }
0x8b: {  	s0 =	sand.u32 $0x1, s1  }
0x8c: {  	s18 =	sshll.u32 s0, $0xA;
	s2 =	sadd.s32 s3, s2  }
0x8d: {  	s2 =	sadd.s32 s2, s18  }
0x8e: {  	[smem:$0x3FC5] =	sst s2  }
0x8f: {  	_ = 	snop  }
0x90: {  	s2 =	sld [smem:$0x3FC9]  }
0x91: {  	s19 =	sld [smem:$0x3FC8]  }
0x92: {  	s4 =	sld [smem:$0x3FC7]  }
0x93: {  	s5 =	sld [smem:$0x3FD0];
	(tm) =	ssettm $0x1  }
0x94: {  	s6 =	sld [smem:$0x3FFB];
	_ =	sdelay $0x3  }
0x95: {  	_ =	strace s6  }
0x96: {  	s6 =	sld [smem:$0x3FFC];
	_ =	sdelay $0x3  }
0x97: {  	_ =	strace s6  }
0x98: {  	s6 =	sld [smem:$0x3FFD];
	_ =	sdelay $0x3  }
0x99: {  	_ =	strace s6  }
0x9a: {  	_ =	strace $0x8FFFFFFF  }
0x9b: {  	s20 =	sld [smem:$0x3FDB];
	_ =	sdelay $0x1  }
0x9c: {  	s7 =	simm.s32 $_scs_section_size  }
0x9d: {  	s8 =	simm.s32 $_size__tile_overlayer_lowered;
	s9 =	simm.s32 $_tile_overlayer_lowered  }
0x9e: {  	s23 =	simm.s32 $0x1BFF;
	s22 =	sshll.u32 s9, $0x1;
	s6 =	sadd.s32 s7, s20  }
0x9f: {  	s10 =	simm.s32 $0x0;
	s21 =	sshll.u32 s8, $0x1;
	s8 =	sadd.s32 s22, s6  }
0xa0: {  	[timem:s10], [sflag:s23] =	dma.local [hbm:s8], s21  }
0xa1: {  	_ =	swait.ge [sflag:s23], s21  }
0xa2: {  	s7 =	ssub.s32 $0x0, s21;
	[sflag:s23] =	ssyncset.done $0x0  }
0xa3: {  	[sflag:s23] =	ssyncadd.s32 s7;
	_ =	sdelay $0x1  }
0xa4: {  	s24 =	simm.s32 $0x1B8B  }
0xa5: {  	_ =	swait.ge [sflag:s24], $0x1  }
0xa6: {  	[sflag:s24] =	ssyncset.done $0x0  }
0xa7: {  	s25 =	simm.s32 $0x1B8E;
	[sflag:s24] =	ssyncadd.s32 $0xFFFFFFFF  }
0xa8: {  	s26 =	simm.s32 $execute0_lowered;
	[smem:$0x3FD2] =	sst s25  }
0xa9: {  	s7 =	sshll.u32 s26, $0x1;
	_ =	strace $0x80000046;
	[dreg:$0x1] =	wrdreg $0xFFFFFFFF  }
0xaa: {  	s28 =	simm.s32 $_size_execute0_lowered;
	s6 =	sadd.s32 s6, s7;
	[dreg:$0x0] =	wrdreg $0x0  }
0xab: {  	s7 =	sshll.u32 s28, $0x1;
	[dreg:$0x2] =	wrdreg s6  }
0xac: {  	[dreg:$0x3] =	wrdreg s7  }
0xad: {  	[dreg:$0x4] =	wrdreg $0xC0  }
0xae: {  	_ =	task [dreg:s10], $0x5FFFF  }
0xaf: {  	[dreg:$0x1] =	wrdreg $0xFFFFFFFF  }
0xb0: {  	[dreg:$0x0] =	wrdreg $0x60  }
0xb1: {  	[dreg:$0x2] =	wrdreg s2  }
0xb2: {  	[dreg:$0x3] =	wrdreg s19  }
0xb3: {  	[dreg:$0x4] =	wrdreg s4  }
0xb4: {  	[dreg:$0x5] =	wrdreg s5  }
0xb5: {  	[dreg:$0x6] =	wrdreg $0x9  }
0xb6: {  	_ =	task.clear_ibuf [dreg:s10], $0x7FFFF;
	_ =	strace $0x90000046  }
0xb7: {  	s29 =	simm.s32 $0x9;
	_ =	strace $0x80000048  }
0xb8: {  	_ =	swait.ge [sflag:s29], $0x1  }
0xb9: {  	[sflag:s29] =	ssyncadd.s32 $0xFFFFFFFF  }
0xba: {  	_ =	strace $0x90000048  }
0xbb: {  	_ =	sfence  }
0xbc: {  	s30 =	sld [smem:$0x0];
	_ =	sdelay $0x2  }
0xbd: {  	s31 =	sshll.u32 s1, $0xD;
	s1 =	sshrl.u32 s1, $0x2  }
0xbe: {  	s3 =	sand.u32 $0x4000, s31;
	s1 =	sadd.s32 s1, s30  }
0xbf: {  	s0 =	sor.u32 s3, s0;
	s1 =	sshll.u32 s1, $0x11  }
0xc0: {  	s0 =	sor.u32 s1, s0  }
0xc1: {  	s0 =	sadd.s32 $0x8F2B, s0  }
0xc2: {  	[sflag:s0] =	ssyncadd.remote.s32 $0x1  }
0xc3: {  	_ =	sfence.sel $0xFFFF  }
0xc4: {  	[dreg:$0x0] =	wrdreg $0xFFFFFFFF;
	(pc) =	sbr.abs _section_cstart, $3  }
0xc5: {  	[dreg:$0x1] =	wrdreg $0xFFFFFFFF  }
0xc6: {  	_ =	task.clear_ibuf [dreg:s10], $0x2FFFF;
	_ =	strace $0x9FFFFFFF  }
0xc7: {  	(tm) =	ssettm $0x7FFFFFFF  }
tec
execute0_lowered:
.L_overlay_start_1:
0x0: {  	(tag) =	ssettag $0x1  }
0x1: {  	s4 =	rddreg [dreg:$0x0]  }
0x2: {  	s5 =	rddreg [dreg:$0x1]  }
0x3: {  	s1 =	rddreg [dreg:$0x2]  }
0x4: {  	s6 =	rddreg [dreg:$0x3]  }
0x5: {  	s0 =	rddreg [dreg:$0x4];
	s3 =	simm.s32 $0x0;
	s7 =	srdreg.scid  }
0x6: {  	s2 =	stileid.u32;
	s11 =	simm.s32 $0x600;
	s7 =	sand.u32 $0x1, s7  }
0x7: {  	s12 =	simm.s32 $0x2;
	[smem:$0x7FF] =	sst s3;
	s8 =	ssub.s32 $0x2, s7  }
0x8: {  	s9 =	sshll.u32 s2, $0xA;
	s7 =	sshll.u32 s7, $0x9;
	s10 =	sshrl.u32 s8, $0x1  }
0x9: {  	_ =	strace $0x80000047;
	s7 =	sor.u32 s7, s9;
	s8 =	ssub.s32 s8, s10  }
0xa: {  	s9 =	sshrl.u32 s7, $0x3;
	s7 =	sshll.u32 s7, $0x4;
	s10 =	simm.s32 $0x400  }
0xb: {  	s4 =	sadd.s32 s4, s9;
	s5 =	sadd.s32 s5, s9;
	s6 =	sadd.s32 s6, s7  }
0xc: {  	s7 =	smax.u32 s8, $0x1;
	s8 =	simm.s32 $0x200;
	s9 =	simm.s32 $0x1  }
.LBB2_1:
0xd: {  	[tilespmem:s3], [sflag:$0x1] =	stream.linear.gather [hbm4b:s4+s3], $0x200, $0x38;
	[tilespmem:$0x10600] =	vst v63  }
0xe: {  	_ = 	snop  }
0xf: {  	[tilespmem:s8], [sflag:$0x1] =	stream.linear.gather [hbm4b:s5+s3], $0x200, $0x38;
	[tilespmem:$0x10600] =	vst v63  }
0x10: {  	_ =	swait.ge [sflag:s9], $0x200  }
0x11: {  	[sflag:s9] =	ssyncset.done $0x0  }
0x12: {  	[sflag:s9] =	ssyncadd.s32 $0xFFFFFE00  }
0x13: {  	_ =	swait.ge [sflag:s9], $0x200  }
0x14: {  	[sflag:s9] =	ssyncset.done $0x0  }
0x15: {  	[sflag:s9] =	ssyncadd.s32 $0xFFFFFE00  }
0x16: {  	v0 =	vld [tilespmem:$0x0]  }
0x17: {  	v1 =	vld [tilespmem:$0x200]  }
0x18: {  	v2 =	vld [tilespmem:$0x10]  }
0x19: {  	v3 =	vld [tilespmem:$0x210]  }
0x1a: {  	v4 =	vld [tilespmem:$0x20]  }
0x1b: {  	v5 =	vld [tilespmem:$0x220]  }
0x1c: {  	v6 =	vld [tilespmem:$0x30]  }
0x1d: {  	v7 =	vld [tilespmem:$0x230]  }
0x1e: {  	v8 =	vld [tilespmem:$0x40]  }
0x1f: {  	v9 =	vld [tilespmem:$0x240]  }
0x20: {  	v10 =	vld [tilespmem:$0x50]  }
0x21: {  	v11 =	vld [tilespmem:$0x250]  }
0x22: {  	v12 =	vld [tilespmem:$0x60]  }
0x23: {  	v13 =	vld [tilespmem:$0x260]  }
0x24: {  	v14 =	vld [tilespmem:$0x70]  }
0x25: {  	v15 =	vld [tilespmem:$0x270]  }
0x26: {  	v16 =	vld [tilespmem:$0x80]  }
0x27: {  	v17 =	vld [tilespmem:$0x280]  }
0x28: {  	v18 =	vld [tilespmem:$0x90]  }
0x29: {  	v19 =	vld [tilespmem:$0x290]  }
0x2a: {  	v20 =	vld [tilespmem:$0xA0]  }
0x2b: {  	v21 =	vld [tilespmem:$0x2A0]  }
0x2c: {  	v22 =	vld [tilespmem:$0xB0]  }
0x2d: {  	v23 =	vld [tilespmem:$0x2B0]  }
0x2e: {  	v24 =	vld [tilespmem:$0xC0]  }
0x2f: {  	v25 =	vld [tilespmem:$0x2C0]  }
0x30: {  	v26 =	vld [tilespmem:$0xD0]  }
0x31: {  	v27 =	vld [tilespmem:$0x2D0]  }
0x32: {  	v28 =	vld [tilespmem:$0xE0]  }
0x33: {  	v29 =	vld [tilespmem:$0x2E0]  }
0x34: {  	v30 =	vld [tilespmem:$0xF0]  }
0x35: {  	v31 =	vld [tilespmem:$0x2F0]  }
0x36: {  	v32 =	vld [tilespmem:$0x100]  }
0x37: {  	v33 =	vld [tilespmem:$0x300]  }
0x38: {  	v34 =	vld [tilespmem:$0x110]  }
0x39: {  	v35 =	vld [tilespmem:$0x310]  }
0x3a: {  	v36 =	vld [tilespmem:$0x120];
	v0 =	vshll.u32 v0, $0x6  }
0x3b: {  	v38 =	vld [tilespmem:$0x350];
	v58 =	vshll.u32 v2, $0x6;
	v0 =	vadd.s32 v1, v0  }
0x3c: {  	v41 =	vld [tilespmem:$0x160];
	v60 =	vshll.u32 v4, $0x6;
	v59 =	vadd.s32 v3, v58;
	[tilespmem:$0x400] =	vst v0  }
0x3d: {  	v44 =	vld [tilespmem:$0x360];
	v62 =	vshll.u32 v6, $0x6;
	v61 =	vadd.s32 v5, v60;
	[tilespmem:$0x410] =	vst v59  }
0x3e: {  	v47 =	vld [tilespmem:$0x170];
	v8 =	vshll.u32 v8, $0x6;
	v63 =	vadd.s32 v7, v62;
	[tilespmem:$0x420] =	vst v61  }
0x3f: {  	v50 =	vld [tilespmem:$0x370];
	v10 =	vshll.u32 v10, $0x6;
	v9 =	vadd.s32 v9, v8;
	[tilespmem:$0x430] =	vst v63  }
0x40: {  	v53 =	vld [tilespmem:$0x180];
	v12 =	vshll.u32 v12, $0x6;
	v11 =	vadd.s32 v11, v10;
	[tilespmem:$0x440] =	vst v9  }
0x41: {  	v56 =	vld [tilespmem:$0x380];
	v37 =	vshll.u32 v14, $0x6;
	v13 =	vadd.s32 v13, v12;
	[tilespmem:$0x450] =	vst v11  }
0x42: {  	v2 =	vld [tilespmem:$0x320];
	v40 =	vshll.u32 v16, $0x6;
	v39 =	vadd.s32 v15, v37;
	[tilespmem:$0x460] =	vst v13  }
0x43: {  	v4 =	vld [tilespmem:$0x330];
	v43 =	vshll.u32 v18, $0x6;
	v42 =	vadd.s32 v17, v40;
	[tilespmem:$0x470] =	vst v39  }
0x44: {  	v6 =	vld [tilespmem:$0x340];
	v46 =	vshll.u32 v20, $0x6;
	v45 =	vadd.s32 v19, v43;
	[tilespmem:$0x480] =	vst v42  }
0x45: {  	v49 =	vshll.u32 v22, $0x6;
	v52 =	vshll.u32 v24, $0x6;
	v24 =	vld [tilespmem:$0x3A0];
	v48 =	vadd.s32 v21, v46;
	[tilespmem:$0x490] =	vst v45  }
0x46: {  	v3 =	vld [tilespmem:$0x130];
	v51 =	vadd.s32 v23, v49;
	[tilespmem:$0x4A0] =	vst v48  }
0x47: {  	v55 =	vshll.u32 v26, $0x6;
	v5 =	vld [tilespmem:$0x140];
	v54 =	vadd.s32 v25, v52;
	[tilespmem:$0x4B0] =	vst v51  }
0x48: {  	v20 =	vshll.u32 v32, $0x6;
	v7 =	vld [tilespmem:$0x150];
	v57 =	vadd.s32 v27, v55;
	[tilespmem:$0x4C0] =	vst v54  }
0x49: {  	v58 =	vshll.u32 v28, $0x6;
	v62 =	vld [tilespmem:$0x390];
	v22 =	vadd.s32 v33, v20;
	[tilespmem:$0x4D0] =	vst v57  }
0x4a: {  	v21 =	vld [tilespmem:$0x1A0];
	v23 =	vshll.u32 v34, $0x6;
	v60 =	vadd.s32 v29, v58;
	[tilespmem:$0x500] =	vst v22  }
0x4b: {  	v27 =	vld [tilespmem:$0x1B0];
	v61 =	vshll.u32 v30, $0x6;
	v25 =	vadd.s32 v35, v23;
	[tilespmem:$0x4E0] =	vst v60  }
0x4c: {  	v26 =	vshll.u32 v36, $0x6;
	v59 =	vld [tilespmem:$0x190];
	v63 =	vadd.s32 v31, v61;
	[tilespmem:$0x510] =	vst v25  }
0x4d: {  	v39 =	vld [tilespmem:$0x1D0];
	[tilespmem:$0x4F0] =	vst v63;
	v28 =	vadd.s32 v2, v26;
	v29 =	vshll.u32 v3, $0x6  }
0x4e: {  	v42 =	vld [tilespmem:$0x3D0];
	[tilespmem:$0x520] =	vst v28;
	v32 =	vshll.u32 v5, $0x6;
	v31 =	vadd.s32 v4, v29  }
0x4f: {  	v45 =	vld [tilespmem:$0x1E0];
	v35 =	vshll.u32 v7, $0x6;
	v34 =	vadd.s32 v6, v32;
	[tilespmem:$0x530] =	vst v31  }
0x50: {  	v48 =	vld [tilespmem:$0x3E0];
	v37 =	vadd.s32 v38, v35;
	v38 =	vshll.u32 v41, $0x6;
	[tilespmem:$0x540] =	vst v34  }
0x51: {  	v33 =	vld [tilespmem:$0x1C0];
	v41 =	vshll.u32 v47, $0x6;
	[tilespmem:$0x550] =	vst v37;
	v40 =	vadd.s32 v44, v38  }
0x52: {  	v30 =	vld [tilespmem:$0x3B0];
	v47 =	vshll.u32 v59, $0x6;
	v43 =	vadd.s32 v50, v41;
	[tilespmem:$0x560] =	vst v40  }
0x53: {  	v51 =	vld [tilespmem:$0x1F0];
	v58 =	vshll.u32 v39, $0x6;
	v49 =	vadd.s32 v62, v47;
	[tilespmem:$0x570] =	vst v43  }
0x54: {  	v54 =	vld [tilespmem:$0x3F0];
	v60 =	vshll.u32 v45, $0x6;
	v59 =	vadd.s32 v42, v58;
	[tilespmem:$0x590] =	vst v49  }
0x55: {  	v36 =	vld [tilespmem:$0x3C0];
	v44 =	vshll.u32 v53, $0x6;
	v61 =	vadd.s32 v48, v60;
	[tilespmem:$0x5D0] =	vst v59  }
0x56: {  	v50 =	vshll.u32 v21, $0x6;
	v46 =	vadd.s32 v56, v44;
	[tilespmem:$0x5E0] =	vst v61  }
0x57: {  	v53 =	vshll.u32 v27, $0x6;
	v52 =	vadd.s32 v24, v50;
	[tilespmem:$0x580] =	vst v46  }
0x58: {  	v62 =	vshll.u32 v51, $0x6;
	v55 =	vadd.s32 v30, v53;
	[tilespmem:$0x5A0] =	vst v52  }
0x59: {  	v56 =	vshll.u32 v33, $0x6;
	v63 =	vadd.s32 v54, v62;
	[tilespmem:$0x5B0] =	vst v55  }
0x5a: {  	v57 =	vadd.s32 v36, v56;
	[tilespmem:$0x5F0] =	vst v63  }
0x5b: {  	[tilespmem:$0x5C0] =	vst v57  }
0x5c: {  	[tilespmem:s11], [sflag:$0x1] =	stream.indirect.gather [hbm4b:s1+s8], $0x80, s10, s8, $0xb8;
	[tilespmem:$0x10600] =	vst v63  }
0x5d: {  	_ =	swait.ge [sflag:s9], $0x10000  }
0x5e: {  	p0 =	sne.s32 s7, $0x1;
	[sflag:s9] =	ssyncset.done $0x0  }
.Ltmp0:
0x5f: {  	[sflag:s9] =	ssyncadd.s32 $0xFFFF0000;
	(pc) =	sbr.rel @p0 .LBB2_1-.Ltmp0, $4  }
0x60: {  	[hbm4b:s6+s3] =	stream.linear.scatter [tilespmem:s11], [sflag:$0x2], $0x10000, $0x38;
	[tilespmem:$0x10600] =	vst v63  }
0x61: {  	_ =	swait.ge [sflag:s12], $0x10000  }
0x62: {  	[sflag:s12] =	ssyncset.done $0x0  }
0x63: {  	s7 =	sadd.s32 $0xFFFFFFFF, s7;
	[sflag:s12] =	ssyncadd.s32 $0xFFFF0000  }
0x64: {  	_ =	sfence.sel $0x180000  }
0x65: {  	[bflag:$0x0] =	sbarrier.arrive $0xFFFF  }
0x66: {  	p0 =	sne.s32 s2, $0x0;
	_ =	strace $0x90000047  }
0x67: {  	s0 =	sadd.s32 @!p0 $0x100000, s0;
	[bflag:$0x2] =	sbarrier.arrive $0xFFFF  }
0x68: {  	[sflag:s0] =	ssyncadd.tile.s32 @!p0 $0x1;
	_ =	shalt  }
.Lfunc_end2:
_tile_overlayer_lowered:
.L_overlay_start_2:
0x69: {  	(tag) =	ssettag $0x2  }
0x6a: {  	s0 =	rddreg [dreg:$0x0];
	s2 =	stileid.u32  }
0x6b: {  	s1 =	rddreg [dreg:$0x1];
	p0 =	sne.s32 s2, $0x0  }
0x6c: {  	s3 =	rddreg [dreg:$0x2];
	[bflag:$0x3] =	sbarrier.arrive $0xFFFF;
	s2 =	simm.s32 @!p0 $0x1C03  }
0x6d: {  	[timem:s3], [sflag:s2] =	dma.local @!p0 [hbm:s0], s1  }
0x6e: {  	s0 =	simm.s32 @!p0 $0x3  }
0x6f: {  	_ =	swait.ge @!p0 [sflag:s0], s1  }
0x70: {  	s1 =	ssub.s32 @!p0 $0x0, s1;
	[sflag:s0] =	ssyncset.done @!p0 $0x0  }
0x71: {  	[sflag:s0] =	ssyncadd.s32 @!p0 s1  }
0x72: {  	[bflag:$0x3] =	sbarrier.arrive $0xFFFF  }
0x73: {  	_ =	shalt  }

</sc_bundles>
